<compile_context>
chip_gen: v7x
topology: tpu7x:2x2x1
jax: 0.10.2.dev20260603
libtpu: 0.0.44.dev20260713+nightly
codegen_flags: <defaults>
</compile_context>

<pallas_src>
import functools

import jax
import jax.numpy as jnp
from jax import lax
from jax.experimental import pallas as pl
from jax.experimental.pallas import tpu as pltpu
from jax.experimental.pallas import tpu_sc as plsc

N_STIM = 21
N_DIM = 3
BATCH = 16384
NC, NS = 1, 16
NW = NC * NS
ROWS_PER_W = BATCH // NW
GROUPS = ROWS_PER_W // 16
SIM_STRIDE = 32
SIM_PAD = N_STIM * SIM_STRIDE


@functools.partial(
    pl.kernel,
    mesh=plsc.VectorSubcoreMesh(core_axis_name="c", subcore_axis_name="s", num_cores=1),
    out_type=jax.ShapeDtypeStruct((BATCH * 4,), jnp.float32),
    compiler_params=pltpu.CompilerParams(
        needs_layout_passes=False, use_tc_tiling_on_sc=True),
    scratch_types=[
        pltpu.VMEM((5, ROWS_PER_W), jnp.int32),
        pltpu.VMEM((N_DIM, SIM_STRIDE), jnp.float32),
        pltpu.VMEM((SIM_PAD,), jnp.float32),
        pltpu.VMEM((4 * ROWS_PER_W,), jnp.float32),
        pltpu.SemaphoreType.DMA,
    ],
)
def _rank_sc(stim_hbm, tab_hbm, out_hbm, idx_v, tab_v, sim_v, out_v, sem):
    wid = lax.axis_index("s") * NC + lax.axis_index("c")
    base = wid * ROWS_PER_W
    idx_dma = pltpu.async_copy(
        stim_hbm.at[:, pl.ds(base, ROWS_PER_W)], idx_v, sem)
    pltpu.sync_copy(tab_hbm, tab_v)

    xj = [[tab_v[d, pl.ds(h * 16, 16)] for h in range(2)]
          for d in range(N_DIM)]

    def build_sim(i, carry):
        ivec = jnp.zeros((16,), jnp.int32) + i
        ti = [plsc.load_gather(tab_v, [jnp.full((16,), d, jnp.int32), ivec])
              for d in range(N_DIM)]
        for h in range(2):
            d2 = jnp.zeros((16,), jnp.float32)
            for d in range(N_DIM):
                diff = ti[d] - xj[d][h]
                d2 = d2 + diff * diff
            bits = lax.bitcast_convert_type(d2, jnp.int32)
            y = lax.bitcast_convert_type(
                jnp.int32(0x5F3759DF) - lax.shift_right_logical(bits, 1),
                jnp.float32)
            for _ in range(3):
                y = y * (1.5 - 0.5 * d2 * y * y)
            dist = d2 * y
            sim_v[pl.ds(i * SIM_STRIDE + h * 16, 16)] = jnp.exp(-10.0 * dist)
        return carry

    lax.fori_loop(0, N_STIM, build_sim, None)
    idx_dma.wait()

    def do_group(g, carry):
        off = g * 16
        q = idx_v[0, pl.ds(off, 16)]
        qbase = q * SIM_STRIDE
        s = []
        for k in range(4):
            r = idx_v[k + 1, pl.ds(off, 16)]
            s.append(plsc.load_gather(sim_v, [qbase + r]))
        inv = 1.0 / (s[0] + s[1] + s[2] + s[3])
        obase = (g // 8) * 512 + (g % 8) * 16
        for k in range(4):
            out_v[pl.ds(obase + k * 128, 16)] = s[k] * inv
        return carry

    lax.fori_loop(0, GROUPS, do_group, None)

    pltpu.sync_copy(out_v, out_hbm.at[pl.ds(wid * 4 * ROWS_PER_W,
                                            4 * ROWS_PER_W)])


def kernel(given4rank1_stimulus_set, table):
    stim_cm = jnp.transpose(given4rank1_stimulus_set)
    tab_cm = jnp.pad(jnp.transpose(table), ((0, 0), (0, SIM_STRIDE - N_STIM)))
    out_flat = _rank_sc(stim_cm, tab_cm)
    out3 = jnp.reshape(out_flat, (BATCH // 128, 4, 128))
    return jnp.reshape(jnp.transpose(out3, (0, 2, 1)), (BATCH, 4))

# --- scband reference (transcript-rebuilt; emitter-appended) ---
"""Pipeline reference for scband-rank-model-a-39273180954751 (READ-ONLY COPY).

The authoritative reference and input builder live on the scoring server;
editing this copy changes nothing except your own understanding.
"""

import jax, jax.numpy as jnp
import numpy as np

N_STIMULI = 20
N_DIM = 3
BATCH = 16384


def setup_inputs(seed: int = 0) -> dict:
    key = jax.random.key(seed)
    k1, k2 = jax.random.split(key)
    # indices in [1, 21): 0 is reserved as the mask token (mask_zero=True),
    # so sample only valid stimulus ids 1..20
    stimulus_set = jax.random.randint(k1, (BATCH, 5), 1, N_STIMULI + 1, dtype=jnp.int32)
    # learned embedding table: (n_stimuli + 1, n_dim)
    table = jax.random.normal(k2, (N_STIMULI + 1, N_DIM), dtype=jnp.float32) * 0.05
    return {"given4rank1_stimulus_set": stimulus_set, "table": table}


def reference(given4rank1_stimulus_set, table):
    # percept: embedding lookup -> [B, 5, n_dim]
    z = jnp.take(table, given4rank1_stimulus_set, axis=0)
    # split along stimuli axis (axis=1) into query (1) and references (4)
    z_q = z[:, :1, :]   # [B, 1, n_dim]
    z_r = z[:, 1:, :]   # [B, 4, n_dim]
    # Minkowski distance, rho=2.0, w=1.0 (non-trainable constants)
    rho = 2.0
    w = jnp.ones((N_DIM,), dtype=jnp.float32)
    d = jnp.power(jnp.sum(w * jnp.power(jnp.abs(z_q - z_r), rho), axis=-1), 1.0 / rho)  # [B, 4]
    # ExponentialSimilarity: beta=10, tau=1, gamma=0 -> s = exp(-beta * d^tau) + gamma
    beta, tau, gamma = 10.0, 1.0, 0.0
    s = jnp.exp(-beta * jnp.power(d, tau)) + gamma  # [B, 4]
    # SoftRank with n_select=1: Luce choice normalization over the 4 references
    probs = s / jnp.sum(s, axis=-1, keepdims=True)  # [B, 4]
    return probs

if __name__ == "__main__":
    import jax
    _d = setup_inputs()
    print(jax.jit(kernel)(*tuple(_d.values())))

</pallas_src>

<mosaic_0001>
#map = affine_map<(d0, d1) -> (0, 0)>
#map1 = affine_map<(d0, d1) -> (0)>
module attributes {stable_mosaic.version = 14 : i64} {
  func.func @_rank_sc(%arg0: i32, %arg1: i32, %arg2: memref<5x16384xi32, #tpu.memory_space<hbm>>, %arg3: memref<3x32xf32, #tpu.memory_space<hbm>>, %arg4: memref<65536xf32, #tpu.memory_space<hbm>>, %arg5: memref<5x1024xi32, #tpu.memory_space<vmem>>, %arg6: memref<3x32xf32, #tpu.memory_space<vmem>>, %arg7: memref<672xf32, #tpu.memory_space<vmem>>, %arg8: memref<4096xf32, #tpu.memory_space<vmem>>, %arg9: memref<!tpu.dma_semaphore, #tpu.memory_space<semaphore_mem>>) attributes {dimension_semantics = [#tpu.dimension_semantics<core_parallel>, #tpu.dimension_semantics<subcore_parallel>], iteration_bounds = array<i64: 1, 16>, scalar_prefetch = 0 : i64, scratch_operands = 5 : i64, tpu.core_type = #tpu.core_type<sc_vector_subcore>, window_params = [{transform_indices = #map}, {transform_indices = #map}, {transform_indices = #map1}]} {
    %mul3A = arith.constant 1 : i32
    %mul3A_0 = arith.muli %arg1, %mul3A : i32
    %add3A = arith.addi %mul3A_0, %arg0 : i32
    %mul3A_1 = arith.constant 1024 : i32
    %mul3A_2 = arith.muli %add3A, %mul3A_1 : i32
    %dma_start3A = arith.constant 0 : i32
    %dma_start3A_3 = tpu.memref_slice %arg2[%dma_start3A, %mul3A_2] : memref<5x16384xi32, #tpu.memory_space<hbm>> -> memref<5x1024xi32, #tpu.memory_space<hbm>>
    %dma_start3A_4 = arith.constant 0 : i32
    %dma_start3A_5 = tpu.memref_slice %arg2[%dma_start3A_4, %mul3A_2] : memref<5x16384xi32, #tpu.memory_space<hbm>> -> memref<5x1024xi32, #tpu.memory_space<hbm>>
    tpu.enqueue_dma source(%dma_start3A_5 : memref<5x1024xi32, #tpu.memory_space<hbm>>) target(%arg5 : memref<5x1024xi32, #tpu.memory_space<vmem>>) target_semaphore(%arg9 : memref<!tpu.dma_semaphore, #tpu.memory_space<semaphore_mem>>)
    "tpu.region"() ({
      %run_scoped3A = tpu.sem_alloc : memref<!tpu.dma_semaphore, #tpu.memory_space<semaphore_mem>>
      tpu.enqueue_dma source(%arg3 : memref<3x32xf32, #tpu.memory_space<hbm>>) target(%arg6 : memref<3x32xf32, #tpu.memory_space<vmem>>) target_semaphore(%run_scoped3A : memref<!tpu.dma_semaphore, #tpu.memory_space<semaphore_mem>>)
      tpu.wait_dma2 semaphore(%run_scoped3A : memref<!tpu.dma_semaphore, #tpu.memory_space<semaphore_mem>>) src(%arg3 : memref<3x32xf32, #tpu.memory_space<hbm>>) dst(%arg6 : memref<3x32xf32, #tpu.memory_space<vmem>>)
      tpu.yield
    }) : () -> ()
    %get3A = arith.constant 0 : i32
    %get3A_6 = arith.index_cast %get3A : i32 to index
    %get3A_7 = arith.constant 0 : index
    %get3A_8 = tpu.vector_load %arg6[%get3A_6, %get3A_7] {strides = array<i32>} : memref<3x32xf32, #tpu.memory_space<vmem>>, vector<16xf32>,
    %get3A_9 = arith.constant 0 : i32
    %get3A_10 = arith.index_cast %get3A_9 : i32 to index
    %get3A_11 = arith.constant 16 : index
    %get3A_12 = tpu.vector_load %arg6[%get3A_10, %get3A_11] {strides = array<i32>} : memref<3x32xf32, #tpu.memory_space<vmem>>, vector<16xf32>,
    %get3A_13 = arith.constant 1 : i32
    %get3A_14 = arith.index_cast %get3A_13 : i32 to index
    %get3A_15 = arith.constant 0 : index
    %get3A_16 = tpu.vector_load %arg6[%get3A_14, %get3A_15] {strides = array<i32>} : memref<3x32xf32, #tpu.memory_space<vmem>>, vector<16xf32>,
    %get3A_17 = arith.constant 1 : i32
    %get3A_18 = arith.index_cast %get3A_17 : i32 to index
    %get3A_19 = arith.constant 16 : index
    %get3A_20 = tpu.vector_load %arg6[%get3A_18, %get3A_19] {strides = array<i32>} : memref<3x32xf32, #tpu.memory_space<vmem>>, vector<16xf32>,
    %get3A_21 = arith.constant 2 : i32
    %get3A_22 = arith.index_cast %get3A_21 : i32 to index
    %get3A_23 = arith.constant 0 : index
    %get3A_24 = tpu.vector_load %arg6[%get3A_22, %get3A_23] {strides = array<i32>} : memref<3x32xf32, #tpu.memory_space<vmem>>, vector<16xf32>,
    %get3A_25 = arith.constant 2 : i32
    %get3A_26 = arith.index_cast %get3A_25 : i32 to index
    %get3A_27 = arith.constant 16 : index
    %get3A_28 = tpu.vector_load %arg6[%get3A_26, %get3A_27] {strides = array<i32>} : memref<3x32xf32, #tpu.memory_space<vmem>>, vector<16xf32>,
    %scan3A = arith.constant 0 : i32
    %scan3A_29 = arith.constant 21 : i32
    %scan3A_30 = arith.addi %scan3A, %scan3A_29 : i32
    %scan3A_31 = arith.constant 1 : i32
    scf.for %scan3A_45 = %scan3A to %scan3A_30 step %scan3A_31  : i32 {
      %broadcast_in_dim3A = arith.constant 0 : i32
      %broadcast_in_dim3A_46 = vector.broadcast %broadcast_in_dim3A : i32 to vector<16xi32>
      %add3A_47 = vector.broadcast %scan3A_45 : i32 to vector<16xi32>
      %add3A_48 = arith.addi %broadcast_in_dim3A_46, %add3A_47 : vector<16xi32>
      %broadcast_in_dim3A_49 = arith.constant 0 : i32
      %broadcast_in_dim3A_50 = vector.broadcast %broadcast_in_dim3A_49 : i32 to vector<16xi32>
      %gather3A = tpu.vector_load_idx %arg6[%broadcast_in_dim3A_50, %add3A_48] : memref<3x32xf32, #tpu.memory_space<vmem>>[vector<16xi32>, vector<16xi32>], vector<16xf32>,
      %broadcast_in_dim3A_51 = arith.constant 1 : i32
      %broadcast_in_dim3A_52 = vector.broadcast %broadcast_in_dim3A_51 : i32 to vector<16xi32>
      %gather3A_53 = tpu.vector_load_idx %arg6[%broadcast_in_dim3A_52, %add3A_48] : memref<3x32xf32, #tpu.memory_space<vmem>>[vector<16xi32>, vector<16xi32>], vector<16xf32>,
      %broadcast_in_dim3A_54 = arith.constant 2 : i32
      %broadcast_in_dim3A_55 = vector.broadcast %broadcast_in_dim3A_54 : i32 to vector<16xi32>
      %gather3A_56 = tpu.vector_load_idx %arg6[%broadcast_in_dim3A_55, %add3A_48] : memref<3x32xf32, #tpu.memory_space<vmem>>[vector<16xi32>, vector<16xi32>], vector<16xf32>,
      %broadcast_in_dim3A_57 = arith.constant 0.000000e+00 : f32
      %broadcast_in_dim3A_58 = vector.broadcast %broadcast_in_dim3A_57 : f32 to vector<16xf32>
      %sub3A = arith.subf %gather3A, %get3A_8 : vector<16xf32>
      %mul3A_59 = arith.mulf %sub3A, %sub3A : vector<16xf32>
      %add3A_60 = arith.addf %broadcast_in_dim3A_58, %mul3A_59 : vector<16xf32>
      %sub3A_61 = arith.subf %gather3A_53, %get3A_16 : vector<16xf32>
      %mul3A_62 = arith.mulf %sub3A_61, %sub3A_61 : vector<16xf32>
      %add3A_63 = arith.addf %add3A_60, %mul3A_62 : vector<16xf32>
      %sub3A_64 = arith.subf %gather3A_56, %get3A_24 : vector<16xf32>
      %mul3A_65 = arith.mulf %sub3A_64, %sub3A_64 : vector<16xf32>
      %add3A_66 = arith.addf %add3A_63, %mul3A_65 : vector<16xf32>
      %bitcast_convert_type3A = tpu.bitcast %add3A_66 : vector<16xf32> -> vector<16xi32>
      %shift_right_logical3A = arith.constant 1 : i32
      %shift_right_logical3A_67 = vector.broadcast %shift_right_logical3A : i32 to vector<16xi32>
      %shift_right_logical3A_68 = arith.shrui %bitcast_convert_type3A, %shift_right_logical3A_67 : vector<16xi32>
      %sub3A_69 = arith.constant 1597463007 : i32
      %sub3A_70 = vector.broadcast %sub3A_69 : i32 to vector<16xi32>
      %sub3A_71 = arith.subi %sub3A_70, %shift_right_logical3A_68 : vector<16xi32>
      %bitcast_convert_type3A_72 = tpu.bitcast %sub3A_71 : vector<16xi32> -> vector<16xf32>
      %mul3A_73 = arith.constant 5.000000e-01 : f32
      %mul3A_74 = vector.broadcast %mul3A_73 : f32 to vector<16xf32>
      %mul3A_75 = arith.mulf %mul3A_74, %add3A_66 : vector<16xf32>
      %mul3A_76 = arith.mulf %mul3A_75, %bitcast_convert_type3A_72 : vector<16xf32>
      %mul3A_77 = arith.mulf %mul3A_76, %bitcast_convert_type3A_72 : vector<16xf32>
      %sub3A_78 = arith.constant 1.500000e+00 : f32
      %sub3A_79 = vector.broadcast %sub3A_78 : f32 to vector<16xf32>
      %sub3A_80 = arith.subf %sub3A_79, %mul3A_77 : vector<16xf32>
      %mul3A_81 = arith.mulf %bitcast_convert_type3A_72, %sub3A_80 : vector<16xf32>
      %mul3A_82 = arith.constant 5.000000e-01 : f32
      %mul3A_83 = vector.broadcast %mul3A_82 : f32 to vector<16xf32>
      %mul3A_84 = arith.mulf %mul3A_83, %add3A_66 : vector<16xf32>
      %mul3A_85 = arith.mulf %mul3A_84, %mul3A_81 : vector<16xf32>
      %mul3A_86 = arith.mulf %mul3A_85, %mul3A_81 : vector<16xf32>
      %sub3A_87 = arith.constant 1.500000e+00 : f32
      %sub3A_88 = vector.broadcast %sub3A_87 : f32 to vector<16xf32>
      %sub3A_89 = arith.subf %sub3A_88, %mul3A_86 : vector<16xf32>
      %mul3A_90 = arith.mulf %mul3A_81, %sub3A_89 : vector<16xf32>
      %mul3A_91 = arith.constant 5.000000e-01 : f32
      %mul3A_92 = vector.broadcast %mul3A_91 : f32 to vector<16xf32>
      %mul3A_93 = arith.mulf %mul3A_92, %add3A_66 : vector<16xf32>
      %mul3A_94 = arith.mulf %mul3A_93, %mul3A_90 : vector<16xf32>
      %mul3A_95 = arith.mulf %mul3A_94, %mul3A_90 : vector<16xf32>
      %sub3A_96 = arith.constant 1.500000e+00 : f32
      %sub3A_97 = vector.broadcast %sub3A_96 : f32 to vector<16xf32>
      %sub3A_98 = arith.subf %sub3A_97, %mul3A_95 : vector<16xf32>
      %mul3A_99 = arith.mulf %mul3A_90, %sub3A_98 : vector<16xf32>
      %mul3A_100 = arith.mulf %add3A_66, %mul3A_99 : vector<16xf32>
      %mul3A_101 = arith.constant -1.000000e+01 : f32
      %mul3A_102 = vector.broadcast %mul3A_101 : f32 to vector<16xf32>
      %mul3A_103 = arith.mulf %mul3A_102, %mul3A_100 : vector<16xf32>
      %exp3A = math.exp %mul3A_103 : vector<16xf32>
      %mul3A_104 = arith.constant 32 : i32
      %mul3A_105 = arith.muli %scan3A_45, %mul3A_104 : i32
      %add3A_106 = arith.constant 0 : i32
      %add3A_107 = arith.addi %mul3A_105, %add3A_106 : i32
      %swap3A = arith.index_cast %add3A_107 : i32 to index
      %swap3A_108 = tpu.vector_load %arg7[%swap3A] {strides = array<i32>} : memref<672xf32, #tpu.memory_space<vmem>>, vector<16xf32>,
      tpu.vector_store %arg7[%swap3A], %exp3A {strides = array<i32>} : memref<672xf32, #tpu.memory_space<vmem>>, vector<16xf32>,
      %broadcast_in_dim3A_109 = arith.constant 0.000000e+00 : f32
      %broadcast_in_dim3A_110 = vector.broadcast %broadcast_in_dim3A_109 : f32 to vector<16xf32>
      %sub3A_111 = arith.subf %gather3A, %get3A_12 : vector<16xf32>
      %mul3A_112 = arith.mulf %sub3A_111, %sub3A_111 : vector<16xf32>
      %add3A_113 = arith.addf %broadcast_in_dim3A_110, %mul3A_112 : vector<16xf32>
      %sub3A_114 = arith.subf %gather3A_53, %get3A_20 : vector<16xf32>
      %mul3A_115 = arith.mulf %sub3A_114, %sub3A_114 : vector<16xf32>
      %add3A_116 = arith.addf %add3A_113, %mul3A_115 : vector<16xf32>
      %sub3A_117 = arith.subf %gather3A_56, %get3A_28 : vector<16xf32>
      %mul3A_118 = arith.mulf %sub3A_117, %sub3A_117 : vector<16xf32>
      %add3A_119 = arith.addf %add3A_116, %mul3A_118 : vector<16xf32>
      %bitcast_convert_type3A_120 = tpu.bitcast %add3A_119 : vector<16xf32> -> vector<16xi32>
      %shift_right_logical3A_121 = arith.constant 1 : i32
      %shift_right_logical3A_122 = vector.broadcast %shift_right_logical3A_121 : i32 to vector<16xi32>
      %shift_right_logical3A_123 = arith.shrui %bitcast_convert_type3A_120, %shift_right_logical3A_122 : vector<16xi32>
      %sub3A_124 = arith.constant 1597463007 : i32
      %sub3A_125 = vector.broadcast %sub3A_124 : i32 to vector<16xi32>
      %sub3A_126 = arith.subi %sub3A_125, %shift_right_logical3A_123 : vector<16xi32>
      %bitcast_convert_type3A_127 = tpu.bitcast %sub3A_126 : vector<16xi32> -> vector<16xf32>
      %mul3A_128 = arith.constant 5.000000e-01 : f32
      %mul3A_129 = vector.broadcast %mul3A_128 : f32 to vector<16xf32>
      %mul3A_130 = arith.mulf %mul3A_129, %add3A_119 : vector<16xf32>
      %mul3A_131 = arith.mulf %mul3A_130, %bitcast_convert_type3A_127 : vector<16xf32>
      %mul3A_132 = arith.mulf %mul3A_131, %bitcast_convert_type3A_127 : vector<16xf32>
      %sub3A_133 = arith.constant 1.500000e+00 : f32
      %sub3A_134 = vector.broadcast %sub3A_133 : f32 to vector<16xf32>
      %sub3A_135 = arith.subf %sub3A_134, %mul3A_132 : vector<16xf32>
      %mul3A_136 = arith.mulf %bitcast_convert_type3A_127, %sub3A_135 : vector<16xf32>
      %mul3A_137 = arith.constant 5.000000e-01 : f32
      %mul3A_138 = vector.broadcast %mul3A_137 : f32 to vector<16xf32>
      %mul3A_139 = arith.mulf %mul3A_138, %add3A_119 : vector<16xf32>
      %mul3A_140 = arith.mulf %mul3A_139, %mul3A_136 : vector<16xf32>
      %mul3A_141 = arith.mulf %mul3A_140, %mul3A_136 : vector<16xf32>
      %sub3A_142 = arith.constant 1.500000e+00 : f32
      %sub3A_143 = vector.broadcast %sub3A_142 : f32 to vector<16xf32>
      %sub3A_144 = arith.subf %sub3A_143, %mul3A_141 : vector<16xf32>
      %mul3A_145 = arith.mulf %mul3A_136, %sub3A_144 : vector<16xf32>
      %mul3A_146 = arith.constant 5.000000e-01 : f32
      %mul3A_147 = vector.broadcast %mul3A_146 : f32 to vector<16xf32>
      %mul3A_148 = arith.mulf %mul3A_147, %add3A_119 : vector<16xf32>
      %mul3A_149 = arith.mulf %mul3A_148, %mul3A_145 : vector<16xf32>
      %mul3A_150 = arith.mulf %mul3A_149, %mul3A_145 : vector<16xf32>
      %sub3A_151 = arith.constant 1.500000e+00 : f32
      %sub3A_152 = vector.broadcast %sub3A_151 : f32 to vector<16xf32>
      %sub3A_153 = arith.subf %sub3A_152, %mul3A_150 : vector<16xf32>
      %mul3A_154 = arith.mulf %mul3A_145, %sub3A_153 : vector<16xf32>
      %mul3A_155 = arith.mulf %add3A_119, %mul3A_154 : vector<16xf32>
      %mul3A_156 = arith.constant -1.000000e+01 : f32
      %mul3A_157 = vector.broadcast %mul3A_156 : f32 to vector<16xf32>
      %mul3A_158 = arith.mulf %mul3A_157, %mul3A_155 : vector<16xf32>
      %exp3A_159 = math.exp %mul3A_158 : vector<16xf32>
      %mul3A_160 = arith.constant 32 : i32
      %mul3A_161 = arith.muli %scan3A_45, %mul3A_160 : i32
      %add3A_162 = arith.constant 16 : i32
      %add3A_163 = arith.addi %mul3A_161, %add3A_162 : i32
      %swap3A_164 = arith.index_cast %add3A_163 : i32 to index
      %swap3A_165 = tpu.vector_load %arg7[%swap3A_164] {strides = array<i32>} : memref<672xf32, #tpu.memory_space<vmem>>, vector<16xf32>,
      tpu.vector_store %arg7[%swap3A_164], %exp3A_159 {strides = array<i32>} : memref<672xf32, #tpu.memory_space<vmem>>, vector<16xf32>,
    }
    %scan3A_32 = arith.constant 21 : i32
    %dma_wait3A = arith.constant 0 : i32
    %dma_wait3A_33 = tpu.memref_slice %arg2[%dma_wait3A, %mul3A_2] : memref<5x16384xi32, #tpu.memory_space<hbm>> -> memref<5x1024xi32, #tpu.memory_space<hbm>>
    %dma_wait3A_34 = arith.constant 0 : i32
    %dma_wait3A_35 = tpu.memref_slice %arg2[%dma_wait3A_34, %mul3A_2] : memref<5x16384xi32, #tpu.memory_space<hbm>> -> memref<5x1024xi32, #tpu.memory_space<hbm>>
    tpu.wait_dma2 semaphore(%arg9 : memref<!tpu.dma_semaphore, #tpu.memory_space<semaphore_mem>>) src(%dma_wait3A_35 : memref<5x1024xi32, #tpu.memory_space<hbm>>) dst(%arg5 : memref<5x1024xi32, #tpu.memory_space<vmem>>)
    %scan3A_36 = arith.constant 0 : i32
    %scan3A_37 = arith.constant 64 : i32
    %scan3A_38 = arith.addi %scan3A_36, %scan3A_37 : i32
    %scan3A_39 = arith.constant 1 : i32
    scf.for %scan3A_45 = %scan3A_36 to %scan3A_38 step %scan3A_39  : i32 {
      %mul3A_46 = arith.constant 16 : i32
      %mul3A_47 = arith.muli %scan3A_45, %mul3A_46 : i32
      %get3A_48 = arith.constant 0 : i32
      %get3A_49 = arith.index_cast %get3A_48 : i32 to index
      %get3A_50 = arith.index_cast %mul3A_47 : i32 to index
      %get3A_51 = tpu.vector_load %arg5[%get3A_49, %get3A_50] {strides = array<i32>} : memref<5x1024xi32, #tpu.memory_space<vmem>>, vector<16xi32>,
      %mul3A_52 = arith.constant 32 : i32
      %mul3A_53 = vector.broadcast %mul3A_52 : i32 to vector<16xi32>
      %mul3A_54 = arith.muli %get3A_51, %mul3A_53 : vector<16xi32>
      %get3A_55 = arith.constant 1 : i32
      %get3A_56 = arith.index_cast %get3A_55 : i32 to index
      %get3A_57 = arith.index_cast %mul3A_47 : i32 to index
      %get3A_58 = tpu.vector_load %arg5[%get3A_56, %get3A_57] {strides = array<i32>} : memref<5x1024xi32, #tpu.memory_space<vmem>>, vector<16xi32>,
      %add3A_59 = arith.addi %mul3A_54, %get3A_58 : vector<16xi32>
      %gather3A = tpu.vector_load_idx %arg7[%add3A_59] : memref<672xf32, #tpu.memory_space<vmem>>[vector<16xi32>], vector<16xf32>,
      %get3A_60 = arith.constant 2 : i32
      %get3A_61 = arith.index_cast %get3A_60 : i32 to index
      %get3A_62 = arith.index_cast %mul3A_47 : i32 to index
      %get3A_63 = tpu.vector_load %arg5[%get3A_61, %get3A_62] {strides = array<i32>} : memref<5x1024xi32, #tpu.memory_space<vmem>>, vector<16xi32>,
      %add3A_64 = arith.addi %mul3A_54, %get3A_63 : vector<16xi32>
      %gather3A_65 = tpu.vector_load_idx %arg7[%add3A_64] : memref<672xf32, #tpu.memory_space<vmem>>[vector<16xi32>], vector<16xf32>,
      %get3A_66 = arith.constant 3 : i32
      %get3A_67 = arith.index_cast %get3A_66 : i32 to index
      %get3A_68 = arith.index_cast %mul3A_47 : i32 to index
      %get3A_69 = tpu.vector_load %arg5[%get3A_67, %get3A_68] {strides = array<i32>} : memref<5x1024xi32, #tpu.memory_space<vmem>>, vector<16xi32>,
      %add3A_70 = arith.addi %mul3A_54, %get3A_69 : vector<16xi32>
      %gather3A_71 = tpu.vector_load_idx %arg7[%add3A_70] : memref<672xf32, #tpu.memory_space<vmem>>[vector<16xi32>], vector<16xf32>,
      %get3A_72 = arith.constant 4 : i32
      %get3A_73 = arith.index_cast %get3A_72 : i32 to index
      %get3A_74 = arith.index_cast %mul3A_47 : i32 to index
      %get3A_75 = tpu.vector_load %arg5[%get3A_73, %get3A_74] {strides = array<i32>} : memref<5x1024xi32, #tpu.memory_space<vmem>>, vector<16xi32>,
      %add3A_76 = arith.addi %mul3A_54, %get3A_75 : vector<16xi32>
      %gather3A_77 = tpu.vector_load_idx %arg7[%add3A_76] : memref<672xf32, #tpu.memory_space<vmem>>[vector<16xi32>], vector<16xf32>,
      %add3A_78 = arith.addf %gather3A, %gather3A_65 : vector<16xf32>
      %add3A_79 = arith.addf %add3A_78, %gather3A_71 : vector<16xf32>
      %add3A_80 = arith.addf %add3A_79, %gather3A_77 : vector<16xf32>
      %div3A = arith.constant 1.000000e+00 : f32
      %div3A_81 = vector.broadcast %div3A : f32 to vector<16xf32>
      %div3A_82 = arith.divf %div3A_81, %add3A_80 : vector<16xf32>
      %jit3A = arith.constant 8 : i32
      %div3A_83 = arith.divsi %scan3A_45, %jit3A : i32
      %sign3A = arith.constant 0 : i32
      %sign3A_84 = arith.cmpi sgt, %scan3A_45, %sign3A : i32
      %sign3A_85 = arith.extui %sign3A_84 : i1 to i32
      %sign3A_86 = arith.constant 0 : i32
      %sign3A_87 = arith.cmpi slt, %scan3A_45, %sign3A_86 : i32
      %sign3A_88 = arith.extui %sign3A_87 : i1 to i32
      %sign3A_89 = arith.subi %sign3A_85, %sign3A_88 : i32
      %sign3A_90 = arith.constant 0 : i32
      %sign3A_91 = arith.cmpi sgt, %jit3A, %sign3A_90 : i32
      %sign3A_92 = arith.extui %sign3A_91 : i1 to i32
      %sign3A_93 = arith.constant 0 : i32
      %sign3A_94 = arith.cmpi slt, %jit3A, %sign3A_93 : i32
      %sign3A_95 = arith.extui %sign3A_94 : i1 to i32
      %sign3A_96 = arith.subi %sign3A_92, %sign3A_95 : i32
      %ne3A = arith.cmpi ne, %sign3A_89, %sign3A_96 : i32
      %rem3A = arith.remsi %scan3A_45, %jit3A : i32
      %ne3A_97 = arith.constant 0 : i32
      %ne3A_98 = arith.cmpi ne, %rem3A, %ne3A_97 : i32
      %and3A = arith.andi %ne3A, %ne3A_98 : i1
      %sub3A = arith.constant 1 : i32
      %sub3A_99 = arith.subi %div3A_83, %sub3A : i32
      %select_n3A = arith.select %and3A, %sub3A_99, %div3A_83 : i32
      %mul3A_100 = arith.constant 512 : i32
      %mul3A_101 = arith.muli %select_n3A, %mul3A_100 : i32
      %jit3A_102 = arith.constant 8 : i32
      %eq3A = arith.constant 0 : i32
      %eq3A_103 = arith.cmpi eq, %jit3A_102, %eq3A : i32
      %jit3A_104 = arith.constant 1 : i32
      %select_n3A_105 = arith.select %eq3A_103, %jit3A_104, %jit3A_102 : i32
      %rem3A_106 = arith.remsi %scan3A_45, %select_n3A_105 : i32
      %ne3A_107 = arith.constant 0 : i32
      %ne3A_108 = arith.cmpi ne, %rem3A_106, %ne3A_107 : i32
      %lt3A = arith.constant 0 : i32
      %lt3A_109 = arith.cmpi slt, %rem3A_106, %lt3A : i32
      %lt3A_110 = arith.constant 0 : i32
      %lt3A_111 = arith.cmpi slt, %select_n3A_105, %lt3A_110 : i32
      %ne3A_112 = arith.xori %lt3A_109, %lt3A_111 : i1
      %and3A_113 = arith.andi %ne3A_112, %ne3A_108 : i1
      %add3A_114 = arith.addi %rem3A_106, %select_n3A_105 : i32
      %select_n3A_115 = arith.select %and3A_113, %add3A_114, %rem3A_106 : i32
      %mul3A_116 = arith.constant 16 : i32
      %mul3A_117 = arith.muli %select_n3A_115, %mul3A_116 : i32
      %add3A_118 = arith.addi %mul3A_101, %mul3A_117 : i32
      %mul3A_119 = arith.mulf %gather3A, %div3A_82 : vector<16xf32>
      %add3A_120 = arith.constant 0 : i32
      %add3A_121 = arith.addi %add3A_118, %add3A_120 : i32
      %swap3A = arith.index_cast %add3A_121 : i32 to index
      %swap3A_122 = tpu.vector_load %arg8[%swap3A] {strides = array<i32>} : memref<4096xf32, #tpu.memory_space<vmem>>, vector<16xf32>,
      tpu.vector_store %arg8[%swap3A], %mul3A_119 {strides = array<i32>} : memref<4096xf32, #tpu.memory_space<vmem>>, vector<16xf32>,
      %mul3A_123 = arith.mulf %gather3A_65, %div3A_82 : vector<16xf32>
      %add3A_124 = arith.constant 128 : i32
      %add3A_125 = arith.addi %add3A_118, %add3A_124 : i32
      %swap3A_126 = arith.index_cast %add3A_125 : i32 to index
      %swap3A_127 = tpu.vector_load %arg8[%swap3A_126] {strides = array<i32>} : memref<4096xf32, #tpu.memory_space<vmem>>, vector<16xf32>,
      tpu.vector_store %arg8[%swap3A_126], %mul3A_123 {strides = array<i32>} : memref<4096xf32, #tpu.memory_space<vmem>>, vector<16xf32>,
      %mul3A_128 = arith.mulf %gather3A_71, %div3A_82 : vector<16xf32>
      %add3A_129 = arith.constant 256 : i32
      %add3A_130 = arith.addi %add3A_118, %add3A_129 : i32
      %swap3A_131 = arith.index_cast %add3A_130 : i32 to index
      %swap3A_132 = tpu.vector_load %arg8[%swap3A_131] {strides = array<i32>} : memref<4096xf32, #tpu.memory_space<vmem>>, vector<16xf32>,
      tpu.vector_store %arg8[%swap3A_131], %mul3A_128 {strides = array<i32>} : memref<4096xf32, #tpu.memory_space<vmem>>, vector<16xf32>,
      %mul3A_133 = arith.mulf %gather3A_77, %div3A_82 : vector<16xf32>
      %add3A_134 = arith.constant 384 : i32
      %add3A_135 = arith.addi %add3A_118, %add3A_134 : i32
      %swap3A_136 = arith.index_cast %add3A_135 : i32 to index
      %swap3A_137 = tpu.vector_load %arg8[%swap3A_136] {strides = array<i32>} : memref<4096xf32, #tpu.memory_space<vmem>>, vector<16xf32>,
      tpu.vector_store %arg8[%swap3A_136], %mul3A_133 {strides = array<i32>} : memref<4096xf32, #tpu.memory_space<vmem>>, vector<16xf32>,
    }
    %scan3A_40 = arith.constant 64 : i32
    %mul3A_41 = arith.constant 4 : i32
    %mul3A_42 = arith.muli %add3A, %mul3A_41 : i32
    %mul3A_43 = arith.constant 1024 : i32
    %mul3A_44 = arith.muli %mul3A_42, %mul3A_43 : i32
    "tpu.region"() ({
      %run_scoped3A = tpu.sem_alloc : memref<!tpu.dma_semaphore, #tpu.memory_space<semaphore_mem>>
      %dma_start3A_45 = tpu.memref_slice %arg4[%mul3A_44] : memref<65536xf32, #tpu.memory_space<hbm>> -> memref<4096xf32, #tpu.memory_space<hbm>>
      %dma_start3A_46 = tpu.memref_slice %arg4[%mul3A_44] : memref<65536xf32, #tpu.memory_space<hbm>> -> memref<4096xf32, #tpu.memory_space<hbm>>
      tpu.enqueue_dma source(%arg8 : memref<4096xf32, #tpu.memory_space<vmem>>) target(%dma_start3A_46 : memref<4096xf32, #tpu.memory_space<hbm>>) target_semaphore(%run_scoped3A : memref<!tpu.dma_semaphore, #tpu.memory_space<semaphore_mem>>)
      %dma_wait3A_47 = tpu.memref_slice %arg4[%mul3A_44] : memref<65536xf32, #tpu.memory_space<hbm>> -> memref<4096xf32, #tpu.memory_space<hbm>>
      %dma_wait3A_48 = tpu.memref_slice %arg4[%mul3A_44] : memref<65536xf32, #tpu.memory_space<hbm>> -> memref<4096xf32, #tpu.memory_space<hbm>>
      tpu.wait_dma2 semaphore(%run_scoped3A : memref<!tpu.dma_semaphore, #tpu.memory_space<semaphore_mem>>) src(%arg8 : memref<4096xf32, #tpu.memory_space<vmem>>) dst(%dma_wait3A_48 : memref<4096xf32, #tpu.memory_space<hbm>>)
      tpu.yield
    }) : () -> ()
    return
  }
}

</mosaic_0001>

<sc_bundles>
// kernel: kernel.3.cloned.1.call-start
scs
__scs_entry_jumppad:
0x0: {  	(pc) =	sbr.rel $0x88, $3  }
0x1: {  	(tag) =	ssettag $0x0;
	lr =	simm.s32 $0x1  }
0x2: {  	[smem:$0x3F9F] =	sst lr;
	_ =	strace $0xD0000000  }
0x3: {  	_ = 	snop  }
0x4: {  	_ = 	snop  }
0x5: {  	_ = 	snop  }
0x6: {  	_ = 	snop  }
0x7: {  	_ = 	snop  }
__scs_overlays_trampoline_lowered:
0x8: {  	[smem:$0x3FAE] =	sst s0  }
0x9: {  	[smem:$0x3FAF] =	sst s1  }
0xa: {  	[smem:$0x3FB0] =	sst s2  }
0xb: {  	[smem:$0x3FB1] =	sst s3  }
0xc: {  	[smem:$0x3FB2] =	sst s4  }
0xd: {  	[smem:$0x3FB3] =	sst s5  }
0xe: {  	[smem:$0x3FB4] =	sst s6  }
0xf: {  	[smem:$0x3FB5] =	sst s7  }
0x10: {  	[smem:$0x3FB6] =	sst s8  }
0x11: {  	[smem:$0x3FB7] =	sst s9;
	s0 =	simm.s32 @!p0 $0x0  }
0x12: {  	s1 =	sld [smem:$0x3F9D];
	s0 =	simm.s32 @p0 $0x1  }
0x13: {  	[smem:$0x3FB8] =	sst s0;
	s0 =	simm.s32 @!p1 $0x0  }
0x14: {  	s2 =	sld [smem:$0x3F9C];
	s0 =	simm.s32 @p1 $0x1  }
0x15: {  	[smem:$0x3FB9] =	sst s0;
	s0 =	simm.s32 @!p2 $0x0  }
0x16: {  	s3 =	sld [smem:$0x3FDB];
	s0 =	simm.s32 @p2 $0x1  }
0x17: {  	s4 =	simm.s32 $0x1BF5;
	[smem:$0x3FBB] =	sst s0  }
0x18: {  	s0 =	sld [smem:$0x3F9E];
	_ =	swait.ge [sflag:s4], $0x0  }
0x19: {  	s7 =	sld [smem:$0x3F9F]  }
0x1a: {  	s8 =	sadd.s32 $0xFFFFE003, lr  }
0x1b: {  	s9 =	sadd.s32 $0xFFFFFEF7, lr;
	s5 =	simm.s32 $0xFFFFFFFF;
	p2 =	slt.u32 s8, $0xFFFFF086  }
0x1c: {  	p1 =	slt.u32 s9, $0xF7A;
	s5 =	simm.s32 @!p2 $0x0  }
0x1d: {  	s5 =	simm.s32 @p1 $0x1;
	p0 =	seq.s32 s7, s2  }
0x1e: {  	s7 =	smul.u32 @!p0 $0xF7A, s2;
	p2 =	seq.s32 @!p0 s5, $0x0  }
0x1f: {  	s9 =	smul.u32 $0xF7A, s1;
	s8 =	simm.s32 @!p0 $0x1BF5;
	p2 =	por !p2, p0  }
0x20: {  	[sflag:s8] =	ssyncset.s32 @!p0 $0xFFFFF086;
	s6 =	sadd.s32 @!p0 s3, s7;
	s7 =	simm.s32 @!p0 $0x108  }
0x21: {  	s3 =	sadd.s32 s3, s9;
	s6 =	sadd.s32 @!p0 $0x88, s6;
	s7 =	simm.s32 @p2 $0x1082  }
0x22: {  	[simem:s7], [sflag:s8] =	dma.local @!p0 [hbm:s6], $0xF7A  }
0x23: {  	s9 =	sor.u32 $0xD0000000, s2;
	s6 =	simm.s32 $0x108;
	_ =	swait.ge @!p0 [sflag:s8], $0x0  }
0x24: {  	s3 =	sadd.s32 $0x88, s3;
	s6 =	simm.s32 @!p1 $0x1082;
	[sflag:s4] =	ssyncset.s32 $0xFFFFF086  }
0x25: {  	[simem:s6], [sflag:s4] =	dma.local [hbm:s3], $0xF7A  }
0x26: {  	[smem:$0x3F9F] =	sst s1;
	(tag) =	ssettag s2;
	_ =	strace s9  }
0x27: {  	s1 =	sld [smem:$0x3FAF]  }
0x28: {  	s2 =	sld [smem:$0x3FB0]  }
0x29: {  	s4 =	sld [smem:$0x3FB2]  }
0x2a: {  	p0 =	seq.s32 s5, $0x0;
	s5 =	sld [smem:$0x3FB3]  }
0x2b: {  	s6 =	sld [smem:$0x3FB4]  }
0x2c: {  	s7 =	sld [smem:$0x3FB5]  }
0x2d: {  	s3 =	simm.s32 $0x108;
	s8 =	sld [smem:$0x3FB6]  }
0x2e: {  	s3 =	simm.s32 @!p0 $0x1082;
	s9 =	sld [smem:$0x3FB7]  }
0x2f: {  	lr =	sadd.s32 s0, s3;
	s0 =	sld [smem:$0x3FAE]  }
0x30: {  	s3 =	sld [smem:$0x3FB1]  }
0x31: {  	[smem:$0x3FBA] =	sst s10  }
0x32: {  	s10 =	sld [smem:$0x3FB8];
	_ =	sdelay $0x3  }
0x33: {  	p0 =	seq.s32 s10, $0x1;
	s10 =	sld [smem:$0x3FBA];
	_ =	sdelay $0x3  }
0x34: {  	[smem:$0x3FBA] =	sst s10  }
0x35: {  	s10 =	sld [smem:$0x3FB9];
	_ =	sdelay $0x3  }
0x36: {  	p1 =	seq.s32 s10, $0x1;
	s10 =	sld [smem:$0x3FBA];
	_ =	sdelay $0x3  }
0x37: {  	[smem:$0x3FBA] =	sst s10  }
0x38: {  	s10 =	sld [smem:$0x3FBB]  }
0x39: {  	_ = 	snop;
	(pc) =	sbr.ind lr, $3  }
0x3a: {  	_ = 	snop  }
0x3b: {  	_ = 	snop  }
0x3c: {  	p2 =	seq.s32 s10, $0x1;
	s10 =	sld [smem:$0x3FBA]  }
0x3d: {  	_ =	shalt  }
0x3e: {  	_ =	shalt  }
0x3f: {  	_ =	shalt  }
0x40: {  	_ =	shalt  }
0x41: {  	_ =	shalt  }
0x42: {  	_ =	shalt  }
0x43: {  	_ =	shalt  }
0x44: {  	_ =	shalt  }
0x45: {  	_ =	shalt  }
0x46: {  	_ =	shalt  }
0x47: {  	_ =	shalt  }
0x48: {  	_ =	shalt  }
0x49: {  	_ =	shalt  }
0x4a: {  	_ =	shalt  }
0x4b: {  	_ =	shalt  }
0x4c: {  	_ =	shalt  }
0x4d: {  	_ =	shalt  }
0x4e: {  	_ =	shalt  }
0x4f: {  	_ =	shalt  }
0x50: {  	_ =	shalt  }
0x51: {  	_ =	shalt  }
0x52: {  	_ =	shalt  }
0x53: {  	_ =	shalt  }
0x54: {  	_ =	shalt  }
0x55: {  	_ =	shalt  }
0x56: {  	_ =	shalt  }
0x57: {  	_ =	shalt  }
0x58: {  	_ =	shalt  }
0x59: {  	_ =	shalt  }
0x5a: {  	_ =	shalt  }
0x5b: {  	_ =	shalt  }
0x5c: {  	_ =	shalt  }
0x5d: {  	_ =	shalt  }
0x5e: {  	_ =	shalt  }
0x5f: {  	_ =	shalt  }
0x60: {  	_ =	shalt  }
0x61: {  	_ =	shalt  }
0x62: {  	_ =	shalt  }
0x63: {  	_ =	shalt  }
0x64: {  	_ =	shalt  }
0x65: {  	_ =	shalt  }
0x66: {  	_ =	shalt  }
0x67: {  	_ =	shalt  }
0x68: {  	_ =	shalt  }
0x69: {  	_ =	shalt  }
0x6a: {  	_ =	shalt  }
0x6b: {  	_ =	shalt  }
0x6c: {  	_ =	shalt  }
0x6d: {  	_ =	shalt  }
0x6e: {  	_ =	shalt  }
0x6f: {  	_ =	shalt  }
0x70: {  	_ =	shalt  }
0x71: {  	_ =	shalt  }
0x72: {  	_ =	shalt  }
0x73: {  	_ =	shalt  }
0x74: {  	_ =	shalt  }
0x75: {  	_ =	shalt  }
0x76: {  	_ =	shalt  }
0x77: {  	_ =	shalt  }
0x78: {  	_ =	shalt  }
0x79: {  	_ =	shalt  }
0x7a: {  	_ =	shalt  }
0x7b: {  	_ =	shalt  }
0x7c: {  	_ =	shalt  }
0x7d: {  	_ =	shalt  }
0x7e: {  	_ =	shalt  }
0x7f: {  	_ =	shalt  }
0x80: {  	_ =	shalt  }
0x81: {  	_ =	shalt  }
0x82: {  	_ =	shalt  }
0x83: {  	_ =	shalt  }
0x84: {  	_ =	shalt  }
0x85: {  	_ =	shalt  }
0x86: {  	_ =	shalt  }
0x87: {  	_ =	shalt  }
.Lfunc_end0:
.L_simem_size_0:
called_computation_lowered:
.L_overlay_start_0:
0x88: {  	s0 =	sld [smem:$0x3FD9]  }
0x89: {  	s1 =	sld [smem:$0x3FFE];
	_ =	sdelay $0x3  }
0x8a: {  	s0 =	sadd.s32 s1, s0  }
0x8b: {  	[smem:$0x3FC6] =	sst s0  }
0x8c: {  	_ = 	snop  }
0x8d: {  	s0 =	sld [smem:$0x3FC9]  }
0x8e: {  	s16 =	sld [smem:$0x3FD0];
	(tm) =	ssettm $0x1  }
0x8f: {  	s2 =	sld [smem:$0x3FFB];
	_ =	sdelay $0x3  }
0x90: {  	_ =	strace s2  }
0x91: {  	s2 =	sld [smem:$0x3FFC];
	_ =	sdelay $0x3  }
0x92: {  	_ =	strace s2  }
0x93: {  	s2 =	sld [smem:$0x3FFD];
	_ =	sdelay $0x3  }
0x94: {  	_ =	strace s2  }
0x95: {  	_ =	strace $0x8FFFFFFF  }
0x96: {  	s17 =	sld [smem:$0x3FDB];
	_ =	sdelay $0x1  }
0x97: {  	s3 =	simm.s32 $_scs_section_size  }
0x98: {  	s4 =	simm.s32 $_size__tile_overlayer_lowered;
	s5 =	simm.s32 $_tile_overlayer_lowered  }
0x99: {  	s20 =	simm.s32 $0x1BFF;
	s19 =	sshll.u32 s5, $0x1;
	s2 =	sadd.s32 s3, s17  }
0x9a: {  	s6 =	simm.s32 $0x0;
	s18 =	sshll.u32 s4, $0x1;
	s4 =	sadd.s32 s19, s2  }
0x9b: {  	[timem:s6], [sflag:s20] =	dma.local [hbm:s4], s18  }
0x9c: {  	_ =	swait.ge [sflag:s20], s18  }
0x9d: {  	s3 =	ssub.s32 $0x0, s18;
	[sflag:s20] =	ssyncset.done $0x0  }
0x9e: {  	[sflag:s20] =	ssyncadd.s32 s3;
	_ =	sdelay $0x1  }
0x9f: {  	s21 =	simm.s32 $0x1B8B  }
0xa0: {  	_ =	swait.ge [sflag:s21], $0x1  }
0xa1: {  	[sflag:s21] =	ssyncset.done $0x0  }
0xa2: {  	s23 =	simm.s32 $0x1B8E;
	s22 =	sld [smem:$0x3FFE];
	[sflag:s21] =	ssyncadd.s32 $0xFFFFFFFF  }
0xa3: {  	s24 =	simm.s32 $execute0_lowered;
	[smem:$0x3FD2] =	sst s23  }
0xa4: {  	s4 =	sshll.u32 s24, $0x1;
	_ =	strace $0x80000046;
	[dreg:$0x1] =	wrdreg $0xFFFFFFFF  }
0xa5: {  	s25 =	simm.s32 $_size_execute0_lowered;
	s2 =	sadd.s32 s2, s4;
	[dreg:$0x0] =	wrdreg $0x0  }
0xa6: {  	s4 =	sshll.u32 s25, $0x1;
	[dreg:$0x2] =	wrdreg s2  }
0xa7: {  	[dreg:$0x3] =	wrdreg s4  }
0xa8: {  	[dreg:$0x4] =	wrdreg $0xC0  }
0xa9: {  	_ =	task [dreg:s6], $0x5FFFF  }
0xaa: {  	[dreg:$0x1] =	wrdreg $0xFFFFFFFF  }
0xab: {  	[dreg:$0x0] =	wrdreg $0x60  }
0xac: {  	[dreg:$0x2] =	wrdreg s0  }
0xad: {  	[dreg:$0x3] =	wrdreg s22  }
0xae: {  	[dreg:$0x4] =	wrdreg s16  }
0xaf: {  	[dreg:$0x5] =	wrdreg $0x9  }
0xb0: {  	_ =	task.clear_ibuf [dreg:s6], $0x6FFFF;
	_ =	strace $0x90000046  }
0xb1: {  	s26 =	simm.s32 $0x9;
	_ =	strace $0x80000048  }
0xb2: {  	_ =	swait.ge [sflag:s26], $0x1  }
0xb3: {  	[sflag:s26] =	ssyncadd.s32 $0xFFFFFFFF  }
0xb4: {  	_ =	strace $0x90000048  }
0xb5: {  	_ =	sfence  }
0xb6: {  	s28 =	sld [smem:$0x0];
	_ =	sdelay $0x1  }
0xb7: {  	s29 =	srdreg.scid  }
0xb8: {  	s30 =	sshll.u32 s29, $0xD;
	s31 =	sshrl.u32 s29, $0x2  }
0xb9: {  	s1 =	sand.u32 $0x1, s29;
	s2 =	sand.u32 $0x4000, s30;
	s0 =	sadd.s32 s31, s28  }
0xba: {  	s1 =	sor.u32 s2, s1;
	s0 =	sshll.u32 s0, $0x11  }
0xbb: {  	s0 =	sor.u32 s0, s1  }
0xbc: {  	s0 =	sadd.s32 $0x8F2B, s0  }
0xbd: {  	[sflag:s0] =	ssyncadd.remote.s32 $0x1  }
0xbe: {  	_ =	sfence.sel $0xFFFF  }
0xbf: {  	[dreg:$0x0] =	wrdreg $0xFFFFFFFF;
	(pc) =	sbr.abs _section_cstart, $3  }
0xc0: {  	[dreg:$0x1] =	wrdreg $0xFFFFFFFF  }
0xc1: {  	_ =	task.clear_ibuf [dreg:s6], $0x2FFFF;
	_ =	strace $0x9FFFFFFF  }
0xc2: {  	(tm) =	ssettm $0x7FFFFFFF  }
0xc3: {  	_ =	shalt  }
tec
execute0_lowered:
.L_overlay_start_1:
0x0: {  	(tag) =	ssettag $0x1  }
0x1: {  	s3 =	rddreg [dreg:$0x0]  }
0x2: {  	s4 =	rddreg [dreg:$0x1]  }
0x3: {  	s2 =	rddreg [dreg:$0x2];
	s5 =	simm.s32 $0x0;
	s1 =	stileid.u32  }
0x4: {  	[smem:$0x7FF] =	sst s5;
	s6 =	sshll.u32 s1, $0xA  }
0x5: {  	s0 =	rddreg [dreg:$0x3];
	_ =	strace $0x80000047;
	s3 =	sadd.s32 s3, s6  }
0x6: {  	[tilespmem:s5], [sflag:$0x1] =	stream.linear.gather [hbm4b:s3+s5], $0x2000, $0x38;
	[tilespmem:$0x3500] =	vst v63  }
0x7: {  	s29 =	simm.s32 $0x2;
	s4 =	sadd.s32 $0x600, s4;
	s3 =	simm.s32 $0x2000  }
0x8: {  	[tilespmem:s3], [sflag:$0x2] =	stream.linear.gather [hbm4b:s4+s5], $0x180, $0x38;
	[tilespmem:$0x3500] =	vst v63  }
0x9: {  	_ =	swait.ge [sflag:s29], $0x180  }
0xa: {  	[sflag:s29] =	ssyncset.done $0x0  }
0xb: {  	v2 =	vmov s5;
	[sflag:s29] =	ssyncadd.s32 $0xFFFFFE80  }
0xc: {  	v4 =	vor.u32 $0x80, v2;
	v0 =	vld [tilespmem:$0x2000]  }
0xd: {  	v3 =	vld [tilespmem:$0x2010]  }
0xe: {  	v6 =	vor.u32 $0x100, v2;
	v1 =	vld [tilespmem:$0x2080]  }
0xf: {  	v5 =	vld [tilespmem:$0x2090]  }
0x10: {  	v7 =	vld.idx.msk [tilespmem:v2+s3+$0x0], $0xffff  }
0x11: {  	v8 =	vld.idx.msk [tilespmem:v4+s3+$0x0], $0xffff  }
0x12: {  	v4 =	vld [tilespmem:$0x2110]  }
0x13: {  	v6 =	vld.idx.msk [tilespmem:v6+s3+$0x0], $0xffff  }
0x14: {  	v2 =	vld [tilespmem:$0x2100];
	_ =	sdelay $0x1  }
0x15: {  	v9 =	vsub.f32 v7, v3;
	v10 =	vsub.f32 v8, v5  }
0x16: {  	v7 =	vsub.f32 v7, v0;
	v8 =	vsub.f32 v8, v1  }
0x17: {  	v11 =	vsub.f32 v6, v4;
	v9 =	vmul.f32 v9, v9;
	v10 =	vmul.f32 v10, v10  }
0x18: {  	v6 =	vsub.f32 v6, v2;
	v7 =	vmul.f32 v7, v7;
	v8 =	vmul.f32 v8, v8  }
0x19: {  	v50 =	vmul.f32 v11, v11;
	v9 =	vadd.f32 v10, v9  }
0x1a: {  	v6 =	vmul.f32 v6, v6;
	v7 =	vadd.f32 v8, v7  }
0x1b: {  	v8 =	vadd.f32 v50, v9  }
0x1c: {  	v6 =	vadd.f32 v6, v7  }
0x1d: {  	v7 =	vshrl.u32 v8, $0x1;
	v9 =	vmul.f32 $5.000000000e-01, v8  }
0x1e: {  	v51 =	vshrl.u32 v6, $0x1;
	v52 =	vmul.f32 $5.000000000e-01, v6;
	v7 =	vsub.s32 $0x5F3759DF, v7  }
0x1f: {  	v10 =	vsub.s32 $0x5F3759DF, v51;
	v12 =	vmul.f32 v7, v9  }
0x20: {  	v13 =	vmul.f32 v10, v52  }
0x21: {  	v12 =	vmul.f32 v7, v12  }
0x22: {  	v13 =	vmul.f32 v10, v13  }
0x23: {  	v12 =	vsub.f32 $1.500000000e+00, v12  }
0x24: {  	v13 =	vsub.f32 $1.500000000e+00, v13  }
0x25: {  	v7 =	vmul.f32 v7, v12  }
0x26: {  	v10 =	vmul.f32 v10, v13  }
0x27: {  	v12 =	vmul.f32 v7, v9  }
0x28: {  	v13 =	vmul.f32 v10, v52  }
0x29: {  	v12 =	vmul.f32 v12, v7  }
0x2a: {  	v13 =	vmul.f32 v13, v10  }
0x2b: {  	v12 =	vsub.f32 $1.500000000e+00, v12  }
0x2c: {  	v13 =	vsub.f32 $1.500000000e+00, v13  }
0x2d: {  	v7 =	vmul.f32 v12, v7  }
0x2e: {  	v10 =	vmul.f32 v13, v10  }
0x2f: {  	v9 =	vmul.f32 v7, v9  }
0x30: {  	v11 =	vmul.f32 v10, v52  }
0x31: {  	v9 =	vmul.f32 v9, v7  }
0x32: {  	v11 =	vmul.f32 v11, v10  }
0x33: {  	v9 =	vsub.f32 $1.500000000e+00, v9  }
0x34: {  	v11 =	vsub.f32 $1.500000000e+00, v11  }
0x35: {  	v7 =	vmul.f32 v9, v7  }
0x36: {  	v53 =	vmul.f32 v11, v10  }
0x37: {  	v7 =	vmul.f32 v7, v8  }
0x38: {  	v6 =	vmul.f32 v53, v6  }
0x39: {  	v7 =	vmul.f32 $-1.000000000e+01, v7  }
0x3a: {  	v6 =	vmul.f32 $-1.000000000e+01, v6  }
0x3b: {  	v7 =	vmul.f32 $1.442695020e+00, v7  }
0x3c: {  	v6 =	vmul.f32 $1.442695020e+00, v6  }
0x3d: {  	(erf) = vpow2.f32 v7  }
0x3e: {  	(erf) = vpow2.f32 v6;
	_ =	sdelay $0x4  }
0x3f: {  	s30 =	simm.s32 $0x1  }
0x40: {  	v6 =	vmov s30  }
0x41: {  	v7 =	vor.u32 $0x80, v6  }
0x42: {  	s4 =	simm.s32 $0x2210;
	v8 =	vpop (erf)  }
0x43: {  	v54 =	vor.u32 $0x100, v6;
	[tilespmem:s4+$0x0] =	vst v8;
	v8 =	vpop (erf)  }
0x44: {  	[tilespmem:s4+$0xFFFFFFF0] =	vst v8  }
0x45: {  	v6 =	vld.idx.msk [tilespmem:v6+s3+$0x0], $0xffff  }
0x46: {  	v7 =	vld.idx.msk [tilespmem:v7+s3+$0x0], $0xffff;
	_ =	sdelay $0x1  }
0x47: {  	v8 =	vld.idx.msk [tilespmem:v54+s3+$0x0], $0xffff;
	_ =	sdelay $0x2  }
0x48: {  	v55 =	vsub.f32 v6, v3;
	v56 =	vsub.f32 v7, v5  }
0x49: {  	v6 =	vsub.f32 v6, v0;
	v7 =	vsub.f32 v7, v1  }
0x4a: {  	v57 =	vsub.f32 v8, v4;
	v9 =	vmul.f32 v55, v55;
	v10 =	vmul.f32 v56, v56  }
0x4b: {  	v8 =	vsub.f32 v8, v2;
	v6 =	vmul.f32 v6, v6;
	v7 =	vmul.f32 v7, v7  }
0x4c: {  	v58 =	vmul.f32 v57, v57;
	v9 =	vadd.f32 v10, v9  }
0x4d: {  	v6 =	vadd.f32 v7, v6;
	v7 =	vmul.f32 v8, v8  }
0x4e: {  	v8 =	vadd.f32 v58, v9  }
0x4f: {  	v6 =	vadd.f32 v7, v6  }
0x50: {  	v7 =	vshrl.u32 v8, $0x1;
	v9 =	vmul.f32 $5.000000000e-01, v8  }
0x51: {  	v59 =	vshrl.u32 v6, $0x1;
	v60 =	vmul.f32 $5.000000000e-01, v6;
	v7 =	vsub.s32 $0x5F3759DF, v7  }
0x52: {  	v10 =	vsub.s32 $0x5F3759DF, v59;
	v61 =	vmul.f32 v7, v9  }
0x53: {  	v62 =	vmul.f32 v10, v60  }
0x54: {  	v12 =	vmul.f32 v7, v61  }
0x55: {  	v13 =	vmul.f32 v10, v62  }
0x56: {  	v12 =	vsub.f32 $1.500000000e+00, v12  }
0x57: {  	v13 =	vsub.f32 $1.500000000e+00, v13  }
0x58: {  	v7 =	vmul.f32 v7, v12  }
0x59: {  	v10 =	vmul.f32 v10, v13  }
0x5a: {  	v12 =	vmul.f32 v7, v9  }
0x5b: {  	v13 =	vmul.f32 v10, v60  }
0x5c: {  	v12 =	vmul.f32 v12, v7  }
0x5d: {  	v13 =	vmul.f32 v13, v10  }
0x5e: {  	v12 =	vsub.f32 $1.500000000e+00, v12  }
0x5f: {  	v13 =	vsub.f32 $1.500000000e+00, v13  }
0x60: {  	v7 =	vmul.f32 v12, v7  }
0x61: {  	v10 =	vmul.f32 v13, v10  }
0x62: {  	v9 =	vmul.f32 v7, v9  }
0x63: {  	v11 =	vmul.f32 v10, v60  }
0x64: {  	v9 =	vmul.f32 v9, v7  }
0x65: {  	v11 =	vmul.f32 v11, v10  }
0x66: {  	v9 =	vsub.f32 $1.500000000e+00, v9  }
0x67: {  	v11 =	vsub.f32 $1.500000000e+00, v11  }
0x68: {  	v7 =	vmul.f32 v9, v7  }
0x69: {  	v63 =	vmul.f32 v11, v10  }
0x6a: {  	v7 =	vmul.f32 v7, v8  }
0x6b: {  	v6 =	vmul.f32 v63, v6  }
0x6c: {  	v7 =	vmul.f32 $-1.000000000e+01, v7  }
0x6d: {  	v6 =	vmul.f32 $-1.000000000e+01, v6  }
0x6e: {  	v7 =	vmul.f32 $1.442695020e+00, v7  }
0x6f: {  	v6 =	vmul.f32 $1.442695020e+00, v6  }
0x70: {  	(erf) = vpow2.f32 v7  }
0x71: {  	(erf) = vpow2.f32 v6;
	_ =	sdelay $0x4  }
0x72: {  	s31 =	simm.s32 $0x2  }
0x73: {  	s5 =	simm.s32 $0x3;
	v6 =	vmov s31  }
.LBB2_1:
0x74: {  	p0 =	sne.s32 s5, $0x14;
	v7 =	vor.u32 $0x80, v6  }
0x75: {  	v8 =	vor.u32 $0x100, v6;
	s4 =	sadd.s32 $0x20, s4;
	v9 =	vpop (erf)  }
0x76: {  	[tilespmem:s4+$0x0] =	vst v9;
	v9 =	vpop (erf)  }
0x77: {  	[tilespmem:s4+$0xFFFFFFF0] =	vst v9  }
0x78: {  	v6 =	vld.idx.msk [tilespmem:v6+s3+$0x0], $0xffff  }
0x79: {  	v7 =	vld.idx.msk [tilespmem:v7+s3+$0x0], $0xffff  }
0x7a: {  	v8 =	vld.idx.msk [tilespmem:v8+s3+$0x0], $0xffff;
	_ =	sdelay $0x3  }
0x7b: {  	v9 =	vsub.f32 v6, v0  }
0x7c: {  	v6 =	vsub.f32 v6, v3;
	v10 =	vsub.f32 v7, v5  }
0x7d: {  	v7 =	vsub.f32 v7, v1;
	v9 =	vmul.f32 v9, v9  }
0x7e: {  	v6 =	vmul.f32 v6, v6;
	v11 =	vsub.f32 v8, v4;
	v10 =	vmul.f32 v10, v10  }
0x7f: {  	v8 =	vsub.f32 v8, v2;
	v7 =	vmul.f32 v7, v7  }
0x80: {  	v6 =	vadd.f32 v10, v6;
	v10 =	vmul.f32 v11, v11  }
0x81: {  	v8 =	vmul.f32 v8, v8;
	v7 =	vadd.f32 v7, v9  }
0x82: {  	v6 =	vadd.f32 v10, v6  }
0x83: {  	v7 =	vadd.f32 v8, v7  }
0x84: {  	v8 =	vshrl.u32 v6, $0x1;
	v9 =	vmul.f32 $5.000000000e-01, v6  }
0x85: {  	v10 =	vshrl.u32 v7, $0x1;
	v11 =	vmul.f32 $5.000000000e-01, v7;
	v8 =	vsub.s32 $0x5F3759DF, v8  }
0x86: {  	v10 =	vsub.s32 $0x5F3759DF, v10;
	v12 =	vmul.f32 v8, v9  }
0x87: {  	v13 =	vmul.f32 v10, v11  }
0x88: {  	v12 =	vmul.f32 v8, v12  }
0x89: {  	v13 =	vmul.f32 v10, v13  }
0x8a: {  	v12 =	vsub.f32 $1.500000000e+00, v12  }
0x8b: {  	v13 =	vsub.f32 $1.500000000e+00, v13  }
0x8c: {  	v8 =	vmul.f32 v8, v12  }
0x8d: {  	v10 =	vmul.f32 v10, v13  }
0x8e: {  	v12 =	vmul.f32 v8, v9  }
0x8f: {  	v13 =	vmul.f32 v10, v11  }
0x90: {  	v12 =	vmul.f32 v12, v8  }
0x91: {  	v13 =	vmul.f32 v13, v10  }
0x92: {  	v12 =	vsub.f32 $1.500000000e+00, v12  }
0x93: {  	v13 =	vsub.f32 $1.500000000e+00, v13  }
0x94: {  	v8 =	vmul.f32 v12, v8  }
0x95: {  	v10 =	vmul.f32 v13, v10  }
0x96: {  	v9 =	vmul.f32 v8, v9  }
0x97: {  	v11 =	vmul.f32 v10, v11  }
0x98: {  	v9 =	vmul.f32 v9, v8  }
0x99: {  	v11 =	vmul.f32 v11, v10  }
0x9a: {  	v9 =	vsub.f32 $1.500000000e+00, v9  }
0x9b: {  	v11 =	vsub.f32 $1.500000000e+00, v11  }
0x9c: {  	v8 =	vmul.f32 v9, v8  }
0x9d: {  	v9 =	vmul.f32 v11, v10  }
0x9e: {  	v6 =	vmul.f32 v8, v6  }
0x9f: {  	v7 =	vmul.f32 v9, v7  }
0xa0: {  	v6 =	vmul.f32 $-1.000000000e+01, v6  }
0xa1: {  	v7 =	vmul.f32 $-1.000000000e+01, v7  }
0xa2: {  	v6 =	vmul.f32 $1.442695020e+00, v6  }
0xa3: {  	v7 =	vmul.f32 $1.442695020e+00, v7  }
0xa4: {  	(erf) = vpow2.f32 v6  }
0xa5: {  	(erf) = vpow2.f32 v7;
	_ =	sdelay $0x1  }
.Ltmp0:
0xa6: {  	(pc) =	sbr.rel @p0 .LBB2_1-.Ltmp0, $2  }
0xa7: {  	_ =	sdelay $0x2  }
0xa8: {  	v6 =	vmov s5;
	s5 =	sadd.s32 $0x1, s5  }
0xa9: {  	v7 =	vor.u32 $0x80, v6  }
0xaa: {  	s4 =	sadd.s32 $0x20, s4;
	v8 =	vpop (erf)  }
0xab: {  	v9 =	vor.u32 $0x100, v6;
	[tilespmem:s4+$0x0] =	vst v8;
	v60 =	vpop (erf)  }
0xac: {  	[tilespmem:s4+$0xFFFFFFF0] =	vst v60  }
0xad: {  	v61 =	vld.idx.msk [tilespmem:v6+s3+$0x0], $0xffff  }
0xae: {  	v7 =	vld.idx.msk [tilespmem:v7+s3+$0x0], $0xffff;
	_ =	sdelay $0x1  }
0xaf: {  	v8 =	vld.idx.msk [tilespmem:v9+s3+$0x0], $0xffff;
	_ =	sdelay $0x2  }
0xb0: {  	v3 =	vsub.f32 v61, v3;
	v5 =	vsub.f32 v7, v5  }
0xb1: {  	v0 =	vsub.f32 v61, v0;
	v1 =	vsub.f32 v7, v1  }
0xb2: {  	v4 =	vsub.f32 v8, v4;
	v3 =	vmul.f32 v3, v3;
	v5 =	vmul.f32 v5, v5  }
0xb3: {  	v2 =	vsub.f32 v8, v2;
	v0 =	vmul.f32 v0, v0;
	v1 =	vmul.f32 v1, v1  }
0xb4: {  	v4 =	vmul.f32 v4, v4;
	v3 =	vadd.f32 v5, v3  }
0xb5: {  	v0 =	vadd.f32 v1, v0;
	v1 =	vmul.f32 v2, v2  }
0xb6: {  	v2 =	vadd.f32 v4, v3  }
0xb7: {  	v0 =	vadd.f32 v1, v0  }
0xb8: {  	v1 =	vshrl.u32 v2, $0x1;
	v3 =	vmul.f32 $5.000000000e-01, v2  }
0xb9: {  	v4 =	vshrl.u32 v0, $0x1;
	v5 =	vmul.f32 $5.000000000e-01, v0;
	v1 =	vsub.s32 $0x5F3759DF, v1  }
0xba: {  	v4 =	vsub.s32 $0x5F3759DF, v4;
	v62 =	vmul.f32 v1, v3  }
0xbb: {  	v63 =	vmul.f32 v4, v5  }
0xbc: {  	v6 =	vmul.f32 v1, v62  }
0xbd: {  	v7 =	vmul.f32 v4, v63  }
0xbe: {  	v6 =	vsub.f32 $1.500000000e+00, v6  }
0xbf: {  	v7 =	vsub.f32 $1.500000000e+00, v7  }
0xc0: {  	v1 =	vmul.f32 v1, v6  }
0xc1: {  	v4 =	vmul.f32 v4, v7  }
0xc2: {  	v6 =	vmul.f32 v1, v3  }
0xc3: {  	v7 =	vmul.f32 v4, v5  }
0xc4: {  	v6 =	vmul.f32 v6, v1  }
0xc5: {  	v7 =	vmul.f32 v7, v4  }
0xc6: {  	v6 =	vsub.f32 $1.500000000e+00, v6  }
0xc7: {  	v7 =	vsub.f32 $1.500000000e+00, v7  }
0xc8: {  	v1 =	vmul.f32 v6, v1  }
0xc9: {  	v4 =	vmul.f32 v7, v4  }
0xca: {  	v3 =	vmul.f32 v1, v3  }
0xcb: {  	v5 =	vmul.f32 v4, v5  }
0xcc: {  	v3 =	vmul.f32 v3, v1  }
0xcd: {  	v5 =	vmul.f32 v5, v4  }
0xce: {  	v3 =	vsub.f32 $1.500000000e+00, v3  }
0xcf: {  	v5 =	vsub.f32 $1.500000000e+00, v5  }
0xd0: {  	v1 =	vmul.f32 v3, v1  }
0xd1: {  	v3 =	vmul.f32 v5, v4  }
0xd2: {  	v1 =	vmul.f32 v1, v2  }
0xd3: {  	v0 =	vmul.f32 v3, v0  }
0xd4: {  	v1 =	vmul.f32 $-1.000000000e+01, v1  }
0xd5: {  	v0 =	vmul.f32 $-1.000000000e+01, v0  }
0xd6: {  	v1 =	vmul.f32 $1.442695020e+00, v1  }
0xd7: {  	v0 =	vmul.f32 $1.442695020e+00, v0  }
0xd8: {  	(erf) = vpow2.f32 v1  }
0xd9: {  	(erf) = vpow2.f32 v0;
	_ =	sdelay $0x7  }
0xda: {  	s30 =	sadd.s32 $0x20, s4;
	v0 =	vpop (erf)  }
0xdb: {  	[tilespmem:s30+$0x0] =	vst v0;
	v0 =	vpop (erf)  }
0xdc: {  	s5 =	simm.s32 $0x1;
	[tilespmem:s30+$0xFFFFFFF0] =	vst v0  }
0xdd: {  	s3 =	simm.s32 $0x0;
	_ =	swait.ge [sflag:s5], $0x2000  }
0xde: {  	s4 =	sand.u32 $0x70, s3;
	s6 =	sand.u32 $0x1C00, s3;
	[sflag:s5] =	ssyncset.done $0x0  }
0xdf: {  	s31 =	sor.u32 s4, s6;
	[sflag:s5] =	ssyncadd.s32 $0xFFFFE000  }
0xe0: {  	v0 =	vld [tilespmem:s31+$0x0]  }
0xe1: {  	v1 =	vld [tilespmem:s31+$0x80]  }
0xe2: {  	v2 =	vld [tilespmem:s31+$0x100];
	_ =	sdelay $0x1  }
0xe3: {  	v3 =	vld [tilespmem:s31+$0x180]  }
0xe4: {  	v0 =	vshll.u32 v0, $0x5  }
0xe5: {  	v4 =	vld [tilespmem:s31+$0x200];
	v1 =	vadd.s32 v1, v0  }
0xe6: {  	v5 =	vadd.s32 v0, v2;
	_ =	sdelay $0x1  }
0xe7: {  	v3 =	vadd.s32 v0, v3  }
0xe8: {  	s5 =	simm.s32 $0x2200  }
0xe9: {  	v4 =	vadd.s32 v0, v4;
	v2 =	vld.idx.msk [tilespmem:v1+s5+$0x0], $0xffff  }
0xea: {  	v0 =	vld.idx.msk [tilespmem:v5+s5+$0x0], $0xffff;
	_ =	sdelay $0x1  }
0xeb: {  	v1 =	vld.idx.msk [tilespmem:v3+s5+$0x0], $0xffff;
	_ =	sdelay $0x1  }
0xec: {  	v3 =	vld.idx.msk [tilespmem:v4+s5+$0x0], $0xffff  }
0xed: {  	v4 =	vadd.f32 v0, v2;
	_ =	sdelay $0x1  }
0xee: {  	v4 =	vadd.f32 v1, v4;
	_ =	sdelay $0x1  }
0xef: {  	v4 =	vadd.f32 v3, v4;
	_ =	sdelay $0x1  }
0xf0: {  	s7 =	simm.s32 $0x0;
	s8 =	simm.s32 $0x0;
	s6 =	simm.s32 $0x40;
	(erf) = vrcp.f32 v4  }
.LBB2_3:
0xf1: {  	_ =	sdelay $0x7  }
0xf2: {  	p0 =	sne.s32 s6, $0xFC0;
	s3 =	sadd.s32 $0x80, s3;
	s7 =	sadd.s32 $0x10, s7;
	v4 =	vpop (erf)  }
0xf3: {  	s9 =	sand.u32 $0xE00, s8;
	s8 =	smov.u32 s6;
	s6 =	sadd.s32 $0x40, s6;
	v2 =	vmul.f32 v4, v2;
	v0 =	vmul.f32 v4, v0  }
0xf4: {  	s9 =	sor.u32 s4, s9;
	v1 =	vmul.f32 v4, v1;
	v3 =	vmul.f32 v4, v3  }
0xf5: {  	[tilespmem:s9+$0x2500] =	vst v2  }
0xf6: {  	[tilespmem:s9+$0x2600] =	vst v1  }
0xf7: {  	s4 =	sand.u32 $0x70, s7;
	s10 =	sand.u32 $0x1C00, s3;
	[tilespmem:s9+$0x2680] =	vst v3  }
0xf8: {  	s10 =	sor.u32 s4, s10;
	[tilespmem:s9+$0x2580] =	vst v0  }
0xf9: {  	v0 =	vld [tilespmem:s10+$0x180]  }
0xfa: {  	v1 =	vld [tilespmem:s10+$0x80]  }
0xfb: {  	v2 =	vld [tilespmem:s10+$0x0]  }
0xfc: {  	v3 =	vld [tilespmem:s10+$0x100]  }
0xfd: {  	v4 =	vld [tilespmem:s10+$0x200];
	_ =	sdelay $0x2  }
0xfe: {  	v2 =	vshll.u32 v2, $0x5  }
0xff: {  	v1 =	vadd.s32 v1, v2;
	v3 =	vadd.s32 v2, v3;
	v5 =	vadd.s32 v2, v0  }
0x100: {  	v4 =	vadd.s32 v2, v4;
	_ =	sdelay $0x3  }
0x101: {  	v2 =	vld.idx.msk [tilespmem:v1+s5+$0x0], $0xffff  }
0x102: {  	v0 =	vld.idx.msk [tilespmem:v3+s5+$0x0], $0xffff;
	_ =	sdelay $0x1  }
0x103: {  	v1 =	vld.idx.msk [tilespmem:v5+s5+$0x0], $0xffff;
	_ =	sdelay $0x1  }
0x104: {  	v3 =	vld.idx.msk [tilespmem:v4+s5+$0x0], $0xffff;
	_ =	sdelay $0x1  }
0x105: {  	v4 =	vadd.f32 v0, v2;
	_ =	sdelay $0x1  }
.Ltmp1:
0x106: {  	v4 =	vadd.f32 v1, v4;
	(pc) =	sbr.rel @p0 .LBB2_3-.Ltmp1, $3  }
0x107: {  	_ = 	snop  }
0x108: {  	v4 =	vadd.f32 v3, v4;
	_ =	sdelay $0x1  }
0x109: {  	(erf) = vrcp.f32 v4  }
0x10a: {  	_ =	sdelay $0x7  }
0x10b: {  	v4 =	vpop (erf)  }
0x10c: {  	s3 =	sand.u32 $0xE00, s8;
	v2 =	vmul.f32 v4, v2  }
0x10d: {  	s3 =	sor.u32 s4, s3;
	v1 =	vmul.f32 v4, v1  }
0x10e: {  	v3 =	vmul.f32 v4, v3;
	[tilespmem:s3+$0x2500] =	vst v2  }
0x10f: {  	v0 =	vmul.f32 v4, v0;
	[tilespmem:s3+$0x2600] =	vst v1  }
0x110: {  	s28 =	sshll.u32 s1, $0x9;
	s29 =	simm.s32 $0x0;
	[tilespmem:s3+$0x2680] =	vst v3  }
0x111: {  	s30 =	simm.s32 $0x2500;
	s31 =	simm.s32 $0x2;
	s2 =	sadd.s32 s2, s28;
	[tilespmem:s3+$0x2580] =	vst v0  }
0x112: {  	[hbm4b:s2+s29] =	stream.linear.scatter [tilespmem:s30], [sflag:$0x2], $0x1000, $0x38;
	[tilespmem:$0x3500] =	vst v63  }
0x113: {  	_ =	swait.ge [sflag:s31], $0x1000  }
0x114: {  	[sflag:s31] =	ssyncset.done $0x0  }
0x115: {  	[sflag:s31] =	ssyncadd.s32 $0xFFFFF000  }
0x116: {  	_ =	sfence.sel $0x180000  }
0x117: {  	[bflag:$0x0] =	sbarrier.arrive $0xFFFF  }
0x118: {  	p0 =	sne.s32 s1, $0x0;
	_ =	strace $0x90000047  }
0x119: {  	s0 =	sadd.s32 @!p0 $0x100000, s0;
	[bflag:$0x2] =	sbarrier.arrive $0xFFFF  }
0x11a: {  	[sflag:s0] =	ssyncadd.tile.s32 @!p0 $0x1;
	_ =	shalt  }
.Lfunc_end2:
_tile_overlayer_lowered:
.L_overlay_start_2:
0x11b: {  	(tag) =	ssettag $0x2  }
0x11c: {  	s0 =	rddreg [dreg:$0x0];
	s2 =	stileid.u32  }
0x11d: {  	s1 =	rddreg [dreg:$0x1];
	p0 =	sne.s32 s2, $0x0  }
0x11e: {  	s3 =	rddreg [dreg:$0x2];
	[bflag:$0x3] =	sbarrier.arrive $0xFFFF;
	s2 =	simm.s32 @!p0 $0x1C02  }
0x11f: {  	[timem:s3], [sflag:s2] =	dma.local @!p0 [hbm:s0], s1  }
0x120: {  	s0 =	simm.s32 @!p0 $0x2  }
0x121: {  	_ =	swait.ge @!p0 [sflag:s0], s1  }
0x122: {  	s1 =	ssub.s32 @!p0 $0x0, s1;
	[sflag:s0] =	ssyncset.done @!p0 $0x0  }
0x123: {  	[sflag:s0] =	ssyncadd.s32 @!p0 s1  }
0x124: {  	[bflag:$0x3] =	sbarrier.arrive $0xFFFF  }
0x125: {  	_ =	shalt  }

</sc_bundles>
